<compile_context>
chip_gen: v7x
topology: tpu7x:2x2x1
jax: 0.10.2.dev20260603
libtpu: 0.0.44.dev20260713+nightly
codegen_flags: <defaults>
</compile_context>

<pallas_src>
import jax
import jax.numpy as jnp
from jax import lax
from jax.experimental import pallas as pl
from jax.experimental.pallas import tpu as pltpu
from jax.experimental.pallas import tpu_sc as plsc

BATCH = 16384
NCOLS = 5
DIM = 32

_info = plsc.get_sparse_core_info()
_NC, _NS = _info.num_cores, _info.num_subcores
_NW = _NC * _NS
_BPW = BATCH // _NW


def _emb_body(i0, i1, i2, i3, i4, w0, w1, w2, w3, w4, out,
              idx_v, rows_v, sem, out_sem):
    idxs = [i0, i1, i2, i3, i4]
    tables = [w0, w1, w2, w3, w4]
    wid = lax.axis_index("s") * _NC + lax.axis_index("c")
    base = wid * _BPW
    for t in range(NCOLS):
        pltpu.sync_copy(idxs[t].at[pl.ds(base, _BPW)], idx_v[t])
    copies = []
    for t in range(NCOLS):
        copies.append(
            pltpu.async_copy(tables[t].at[idx_v[t]], rows_v[t], sem))
    outs = []
    for t in range(NCOLS):
        copies[t].wait()
        outs.append(pltpu.async_copy(
            rows_v[t], out.at[pl.ds(base, _BPW), pl.ds(t * DIM, DIM)],
            out_sem))
    for t in range(NCOLS):
        outs[t].wait()


_emb = pl.kernel(
    _emb_body,
    mesh=plsc.VectorSubcoreMesh(core_axis_name="c", subcore_axis_name="s"),
    out_type=jax.ShapeDtypeStruct((BATCH, NCOLS * DIM), jnp.float32),
    scratch_types=[
        [pltpu.VMEM((_BPW,), jnp.int32) for _ in range(NCOLS)],
        [pltpu.VMEM((_BPW, DIM), jnp.float32) for _ in range(NCOLS)],
        pltpu.SemaphoreType.DMA,
        pltpu.SemaphoreType.DMA,
    ],
    compiler_params=pltpu.CompilerParams(use_tc_tiling_on_sc=False),
)


def kernel(cat_tensor, W0, W1, W2, W3, W4):
    cols = [cat_tensor[:, t] for t in range(NCOLS)]
    return _emb(*cols, W0, W1, W2, W3, W4)

# --- scband reference (transcript-rebuilt; emitter-appended) ---
"""Pipeline reference for scband-embedding-layer-19404662243915 (READ-ONLY COPY).

The authoritative reference and input builder live on the scoring server;
editing this copy changes nothing except your own understanding.
"""

import jax, jax.numpy as jnp
import numpy as np

BATCH = 16384
NCOLS = 5
CARD = 100000
DIM = 32

def setup_inputs(seed: int = 0) -> dict:
    key = jax.random.key(seed)
    ks = jax.random.split(key, NCOLS + 1)
    cat_tensor = jax.random.randint(ks[0], (BATCH, NCOLS), 0, CARD, dtype=jnp.int32)
    inp = {"cat_tensor": cat_tensor}
    for i in range(NCOLS):
        inp[f"W{i}"] = jax.random.normal(ks[i + 1], (CARD, DIM), dtype=jnp.float32)
    return inp

def reference(cat_tensor, W0, W1, W2, W3, W4):
    tables = [W0, W1, W2, W3, W4]
    parts = []
    for i, W in enumerate(tables):
        idx = jnp.clip(cat_tensor[:, i].astype(jnp.int32), 0, W.shape[0] - 1)
        parts.append(jnp.take(W, idx, axis=0))
    embed = jnp.concatenate(parts, axis=1)
    return embed

if __name__ == "__main__":
    import jax
    _d = setup_inputs()
    print(jax.jit(kernel)(*tuple(_d.values())))

</pallas_src>

<mosaic_0001>
#map = affine_map<(d0, d1) -> (0)>
#map1 = affine_map<(d0, d1) -> (0, 0)>
module attributes {stable_mosaic.version = 14 : i64} {
  func.func @_emb_body(%arg0: i32, %arg1: i32, %arg2: memref<16384xi32, #tpu.memory_space<hbm>>, %arg3: memref<16384xi32, #tpu.memory_space<hbm>>, %arg4: memref<16384xi32, #tpu.memory_space<hbm>>, %arg5: memref<16384xi32, #tpu.memory_space<hbm>>, %arg6: memref<16384xi32, #tpu.memory_space<hbm>>, %arg7: memref<100000x32xf32, #tpu.memory_space<hbm>>, %arg8: memref<100000x32xf32, #tpu.memory_space<hbm>>, %arg9: memref<100000x32xf32, #tpu.memory_space<hbm>>, %arg10: memref<100000x32xf32, #tpu.memory_space<hbm>>, %arg11: memref<100000x32xf32, #tpu.memory_space<hbm>>, %arg12: memref<16384x160xf32, #tpu.memory_space<hbm>>, %arg13: memref<512xi32, #tpu.memory_space<vmem>>, %arg14: memref<512xi32, #tpu.memory_space<vmem>>, %arg15: memref<512xi32, #tpu.memory_space<vmem>>, %arg16: memref<512xi32, #tpu.memory_space<vmem>>, %arg17: memref<512xi32, #tpu.memory_space<vmem>>, %arg18: memref<512x32xf32, #tpu.memory_space<vmem>>, %arg19: memref<512x32xf32, #tpu.memory_space<vmem>>, %arg20: memref<512x32xf32, #tpu.memory_space<vmem>>, %arg21: memref<512x32xf32, #tpu.memory_space<vmem>>, %arg22: memref<512x32xf32, #tpu.memory_space<vmem>>, %arg23: memref<!tpu.dma_semaphore, #tpu.memory_space<semaphore_mem>>, %arg24: memref<!tpu.dma_semaphore, #tpu.memory_space<semaphore_mem>>) attributes {dimension_semantics = [#tpu.dimension_semantics<core_parallel>, #tpu.dimension_semantics<subcore_parallel>], iteration_bounds = array<i64: 2, 16>, scalar_prefetch = 0 : i64, scratch_operands = 12 : i64, tpu.core_type = #tpu.core_type<sc_vector_subcore>, window_params = [{transform_indices = #map}, {transform_indices = #map}, {transform_indices = #map}, {transform_indices = #map}, {transform_indices = #map}, {transform_indices = #map1}, {transform_indices = #map1}, {transform_indices = #map1}, {transform_indices = #map1}, {transform_indices = #map1}, {transform_indices = #map1}]} {
    %mul3A = arith.constant 2 : i32
    %mul3A_0 = arith.muli %arg1, %mul3A : i32
    %add3A = arith.addi %mul3A_0, %arg0 : i32
    %mul3A_1 = arith.constant 512 : i32
    %mul3A_2 = arith.muli %add3A, %mul3A_1 : i32
    "tpu.region"() ({
      %run_scoped3A = tpu.sem_alloc : memref<!tpu.dma_semaphore, #tpu.memory_space<semaphore_mem>>
      %dma_start3A_71 = tpu.memref_slice %arg2[%mul3A_2] : memref<16384xi32, #tpu.memory_space<hbm>> -> memref<512xi32, #tpu.memory_space<hbm>>
      %dma_start3A_72 = tpu.memref_slice %arg2[%mul3A_2] : memref<16384xi32, #tpu.memory_space<hbm>> -> memref<512xi32, #tpu.memory_space<hbm>>
      tpu.enqueue_dma source(%dma_start3A_72 : memref<512xi32, #tpu.memory_space<hbm>>) target(%arg13 : memref<512xi32, #tpu.memory_space<vmem>>) target_semaphore(%run_scoped3A : memref<!tpu.dma_semaphore, #tpu.memory_space<semaphore_mem>>)
      %dma_wait3A_73 = tpu.memref_slice %arg2[%mul3A_2] : memref<16384xi32, #tpu.memory_space<hbm>> -> memref<512xi32, #tpu.memory_space<hbm>>
      %dma_wait3A_74 = tpu.memref_slice %arg2[%mul3A_2] : memref<16384xi32, #tpu.memory_space<hbm>> -> memref<512xi32, #tpu.memory_space<hbm>>
      tpu.wait_dma2 semaphore(%run_scoped3A : memref<!tpu.dma_semaphore, #tpu.memory_space<semaphore_mem>>) src(%dma_wait3A_74 : memref<512xi32, #tpu.memory_space<hbm>>) dst(%arg13 : memref<512xi32, #tpu.memory_space<vmem>>)
      tpu.yield
    }) : () -> ()
    "tpu.region"() ({
      %run_scoped3A = tpu.sem_alloc : memref<!tpu.dma_semaphore, #tpu.memory_space<semaphore_mem>>
      %dma_start3A_71 = tpu.memref_slice %arg3[%mul3A_2] : memref<16384xi32, #tpu.memory_space<hbm>> -> memref<512xi32, #tpu.memory_space<hbm>>
      %dma_start3A_72 = tpu.memref_slice %arg3[%mul3A_2] : memref<16384xi32, #tpu.memory_space<hbm>> -> memref<512xi32, #tpu.memory_space<hbm>>
      tpu.enqueue_dma source(%dma_start3A_72 : memref<512xi32, #tpu.memory_space<hbm>>) target(%arg14 : memref<512xi32, #tpu.memory_space<vmem>>) target_semaphore(%run_scoped3A : memref<!tpu.dma_semaphore, #tpu.memory_space<semaphore_mem>>)
      %dma_wait3A_73 = tpu.memref_slice %arg3[%mul3A_2] : memref<16384xi32, #tpu.memory_space<hbm>> -> memref<512xi32, #tpu.memory_space<hbm>>
      %dma_wait3A_74 = tpu.memref_slice %arg3[%mul3A_2] : memref<16384xi32, #tpu.memory_space<hbm>> -> memref<512xi32, #tpu.memory_space<hbm>>
      tpu.wait_dma2 semaphore(%run_scoped3A : memref<!tpu.dma_semaphore, #tpu.memory_space<semaphore_mem>>) src(%dma_wait3A_74 : memref<512xi32, #tpu.memory_space<hbm>>) dst(%arg14 : memref<512xi32, #tpu.memory_space<vmem>>)
      tpu.yield
    }) : () -> ()
    "tpu.region"() ({
      %run_scoped3A = tpu.sem_alloc : memref<!tpu.dma_semaphore, #tpu.memory_space<semaphore_mem>>
      %dma_start3A_71 = tpu.memref_slice %arg4[%mul3A_2] : memref<16384xi32, #tpu.memory_space<hbm>> -> memref<512xi32, #tpu.memory_space<hbm>>
      %dma_start3A_72 = tpu.memref_slice %arg4[%mul3A_2] : memref<16384xi32, #tpu.memory_space<hbm>> -> memref<512xi32, #tpu.memory_space<hbm>>
      tpu.enqueue_dma source(%dma_start3A_72 : memref<512xi32, #tpu.memory_space<hbm>>) target(%arg15 : memref<512xi32, #tpu.memory_space<vmem>>) target_semaphore(%run_scoped3A : memref<!tpu.dma_semaphore, #tpu.memory_space<semaphore_mem>>)
      %dma_wait3A_73 = tpu.memref_slice %arg4[%mul3A_2] : memref<16384xi32, #tpu.memory_space<hbm>> -> memref<512xi32, #tpu.memory_space<hbm>>
      %dma_wait3A_74 = tpu.memref_slice %arg4[%mul3A_2] : memref<16384xi32, #tpu.memory_space<hbm>> -> memref<512xi32, #tpu.memory_space<hbm>>
      tpu.wait_dma2 semaphore(%run_scoped3A : memref<!tpu.dma_semaphore, #tpu.memory_space<semaphore_mem>>) src(%dma_wait3A_74 : memref<512xi32, #tpu.memory_space<hbm>>) dst(%arg15 : memref<512xi32, #tpu.memory_space<vmem>>)
      tpu.yield
    }) : () -> ()
    "tpu.region"() ({
      %run_scoped3A = tpu.sem_alloc : memref<!tpu.dma_semaphore, #tpu.memory_space<semaphore_mem>>
      %dma_start3A_71 = tpu.memref_slice %arg5[%mul3A_2] : memref<16384xi32, #tpu.memory_space<hbm>> -> memref<512xi32, #tpu.memory_space<hbm>>
      %dma_start3A_72 = tpu.memref_slice %arg5[%mul3A_2] : memref<16384xi32, #tpu.memory_space<hbm>> -> memref<512xi32, #tpu.memory_space<hbm>>
      tpu.enqueue_dma source(%dma_start3A_72 : memref<512xi32, #tpu.memory_space<hbm>>) target(%arg16 : memref<512xi32, #tpu.memory_space<vmem>>) target_semaphore(%run_scoped3A : memref<!tpu.dma_semaphore, #tpu.memory_space<semaphore_mem>>)
      %dma_wait3A_73 = tpu.memref_slice %arg5[%mul3A_2] : memref<16384xi32, #tpu.memory_space<hbm>> -> memref<512xi32, #tpu.memory_space<hbm>>
      %dma_wait3A_74 = tpu.memref_slice %arg5[%mul3A_2] : memref<16384xi32, #tpu.memory_space<hbm>> -> memref<512xi32, #tpu.memory_space<hbm>>
      tpu.wait_dma2 semaphore(%run_scoped3A : memref<!tpu.dma_semaphore, #tpu.memory_space<semaphore_mem>>) src(%dma_wait3A_74 : memref<512xi32, #tpu.memory_space<hbm>>) dst(%arg16 : memref<512xi32, #tpu.memory_space<vmem>>)
      tpu.yield
    }) : () -> ()
    "tpu.region"() ({
      %run_scoped3A = tpu.sem_alloc : memref<!tpu.dma_semaphore, #tpu.memory_space<semaphore_mem>>
      %dma_start3A_71 = tpu.memref_slice %arg6[%mul3A_2] : memref<16384xi32, #tpu.memory_space<hbm>> -> memref<512xi32, #tpu.memory_space<hbm>>
      %dma_start3A_72 = tpu.memref_slice %arg6[%mul3A_2] : memref<16384xi32, #tpu.memory_space<hbm>> -> memref<512xi32, #tpu.memory_space<hbm>>
      tpu.enqueue_dma source(%dma_start3A_72 : memref<512xi32, #tpu.memory_space<hbm>>) target(%arg17 : memref<512xi32, #tpu.memory_space<vmem>>) target_semaphore(%run_scoped3A : memref<!tpu.dma_semaphore, #tpu.memory_space<semaphore_mem>>)
      %dma_wait3A_73 = tpu.memref_slice %arg6[%mul3A_2] : memref<16384xi32, #tpu.memory_space<hbm>> -> memref<512xi32, #tpu.memory_space<hbm>>
      %dma_wait3A_74 = tpu.memref_slice %arg6[%mul3A_2] : memref<16384xi32, #tpu.memory_space<hbm>> -> memref<512xi32, #tpu.memory_space<hbm>>
      tpu.wait_dma2 semaphore(%run_scoped3A : memref<!tpu.dma_semaphore, #tpu.memory_space<semaphore_mem>>) src(%dma_wait3A_74 : memref<512xi32, #tpu.memory_space<hbm>>) dst(%arg17 : memref<512xi32, #tpu.memory_space<vmem>>)
      tpu.yield
    }) : () -> ()
    %dma_start3A = arith.constant 0 : i32
    %dma_start3A_3 = arith.constant 0 : i32
    %dma_start3A_4 = tpu.memref_slice %arg7[%dma_start3A, %dma_start3A_3] : memref<100000x32xf32, #tpu.memory_space<hbm>> -> memref<100000x32xf32, #tpu.memory_space<hbm>>
    tpu.enqueue_indirect_dma source(%dma_start3A_4 : memref<100000x32xf32, #tpu.memory_space<hbm>>) target(%arg18 : memref<512x32xf32, #tpu.memory_space<vmem>>) offsets(%arg13 : memref<512xi32, #tpu.memory_space<vmem>>) semaphore(%arg23 : memref<!tpu.dma_semaphore, #tpu.memory_space<semaphore_mem>>)
    %dma_start3A_5 = arith.constant 0 : i32
    %dma_start3A_6 = arith.constant 0 : i32
    %dma_start3A_7 = tpu.memref_slice %arg8[%dma_start3A_5, %dma_start3A_6] : memref<100000x32xf32, #tpu.memory_space<hbm>> -> memref<100000x32xf32, #tpu.memory_space<hbm>>
    tpu.enqueue_indirect_dma source(%dma_start3A_7 : memref<100000x32xf32, #tpu.memory_space<hbm>>) target(%arg19 : memref<512x32xf32, #tpu.memory_space<vmem>>) offsets(%arg14 : memref<512xi32, #tpu.memory_space<vmem>>) semaphore(%arg23 : memref<!tpu.dma_semaphore, #tpu.memory_space<semaphore_mem>>)
    %dma_start3A_8 = arith.constant 0 : i32
    %dma_start3A_9 = arith.constant 0 : i32
    %dma_start3A_10 = tpu.memref_slice %arg9[%dma_start3A_8, %dma_start3A_9] : memref<100000x32xf32, #tpu.memory_space<hbm>> -> memref<100000x32xf32, #tpu.memory_space<hbm>>
    tpu.enqueue_indirect_dma source(%dma_start3A_10 : memref<100000x32xf32, #tpu.memory_space<hbm>>) target(%arg20 : memref<512x32xf32, #tpu.memory_space<vmem>>) offsets(%arg15 : memref<512xi32, #tpu.memory_space<vmem>>) semaphore(%arg23 : memref<!tpu.dma_semaphore, #tpu.memory_space<semaphore_mem>>)
    %dma_start3A_11 = arith.constant 0 : i32
    %dma_start3A_12 = arith.constant 0 : i32
    %dma_start3A_13 = tpu.memref_slice %arg10[%dma_start3A_11, %dma_start3A_12] : memref<100000x32xf32, #tpu.memory_space<hbm>> -> memref<100000x32xf32, #tpu.memory_space<hbm>>
    tpu.enqueue_indirect_dma source(%dma_start3A_13 : memref<100000x32xf32, #tpu.memory_space<hbm>>) target(%arg21 : memref<512x32xf32, #tpu.memory_space<vmem>>) offsets(%arg16 : memref<512xi32, #tpu.memory_space<vmem>>) semaphore(%arg23 : memref<!tpu.dma_semaphore, #tpu.memory_space<semaphore_mem>>)
    %dma_start3A_14 = arith.constant 0 : i32
    %dma_start3A_15 = arith.constant 0 : i32
    %dma_start3A_16 = tpu.memref_slice %arg11[%dma_start3A_14, %dma_start3A_15] : memref<100000x32xf32, #tpu.memory_space<hbm>> -> memref<100000x32xf32, #tpu.memory_space<hbm>>
    tpu.enqueue_indirect_dma source(%dma_start3A_16 : memref<100000x32xf32, #tpu.memory_space<hbm>>) target(%arg22 : memref<512x32xf32, #tpu.memory_space<vmem>>) offsets(%arg17 : memref<512xi32, #tpu.memory_space<vmem>>) semaphore(%arg23 : memref<!tpu.dma_semaphore, #tpu.memory_space<semaphore_mem>>)
    %dma_wait3A = arith.constant 0 : i32
    %dma_wait3A_17 = arith.constant 0 : i32
    %dma_wait3A_18 = tpu.memref_slice %arg7[%dma_wait3A, %dma_wait3A_17] : memref<100000x32xf32, #tpu.memory_space<hbm>> -> memref<100000x32xf32, #tpu.memory_space<hbm>>
    tpu.wait_indirect_dma semaphore(%arg23 : memref<!tpu.dma_semaphore, #tpu.memory_space<semaphore_mem>>) src(%dma_wait3A_18 : memref<100000x32xf32, #tpu.memory_space<hbm>>) dst(%arg18 : memref<512x32xf32, #tpu.memory_space<vmem>>)
    %dma_start3A_19 = arith.constant 0 : i32
    %dma_start3A_20 = tpu.memref_slice %arg12[%mul3A_2, %dma_start3A_19] : memref<16384x160xf32, #tpu.memory_space<hbm>> -> memref<512x32xf32, #tpu.memory_space<hbm>>
    %dma_start3A_21 = arith.constant 0 : i32
    %dma_start3A_22 = tpu.memref_slice %arg12[%mul3A_2, %dma_start3A_21] : memref<16384x160xf32, #tpu.memory_space<hbm>> -> memref<512x32xf32, #tpu.memory_space<hbm>>
    tpu.enqueue_dma source(%arg18 : memref<512x32xf32, #tpu.memory_space<vmem>>) target(%dma_start3A_22 : memref<512x32xf32, #tpu.memory_space<hbm>>) target_semaphore(%arg24 : memref<!tpu.dma_semaphore, #tpu.memory_space<semaphore_mem>>)
    %dma_wait3A_23 = arith.constant 0 : i32
    %dma_wait3A_24 = arith.constant 0 : i32
    %dma_wait3A_25 = tpu.memref_slice %arg8[%dma_wait3A_23, %dma_wait3A_24] : memref<100000x32xf32, #tpu.memory_space<hbm>> -> memref<100000x32xf32, #tpu.memory_space<hbm>>
    tpu.wait_indirect_dma semaphore(%arg23 : memref<!tpu.dma_semaphore, #tpu.memory_space<semaphore_mem>>) src(%dma_wait3A_25 : memref<100000x32xf32, #tpu.memory_space<hbm>>) dst(%arg19 : memref<512x32xf32, #tpu.memory_space<vmem>>)
    %dma_start3A_26 = arith.constant 32 : i32
    %dma_start3A_27 = tpu.memref_slice %arg12[%mul3A_2, %dma_start3A_26] : memref<16384x160xf32, #tpu.memory_space<hbm>> -> memref<512x32xf32, #tpu.memory_space<hbm>>
    %dma_start3A_28 = arith.constant 32 : i32
    %dma_start3A_29 = tpu.memref_slice %arg12[%mul3A_2, %dma_start3A_28] : memref<16384x160xf32, #tpu.memory_space<hbm>> -> memref<512x32xf32, #tpu.memory_space<hbm>>
    tpu.enqueue_dma source(%arg19 : memref<512x32xf32, #tpu.memory_space<vmem>>) target(%dma_start3A_29 : memref<512x32xf32, #tpu.memory_space<hbm>>) target_semaphore(%arg24 : memref<!tpu.dma_semaphore, #tpu.memory_space<semaphore_mem>>)
    %dma_wait3A_30 = arith.constant 0 : i32
    %dma_wait3A_31 = arith.constant 0 : i32
    %dma_wait3A_32 = tpu.memref_slice %arg9[%dma_wait3A_30, %dma_wait3A_31] : memref<100000x32xf32, #tpu.memory_space<hbm>> -> memref<100000x32xf32, #tpu.memory_space<hbm>>
    tpu.wait_indirect_dma semaphore(%arg23 : memref<!tpu.dma_semaphore, #tpu.memory_space<semaphore_mem>>) src(%dma_wait3A_32 : memref<100000x32xf32, #tpu.memory_space<hbm>>) dst(%arg20 : memref<512x32xf32, #tpu.memory_space<vmem>>)
    %dma_start3A_33 = arith.constant 64 : i32
    %dma_start3A_34 = tpu.memref_slice %arg12[%mul3A_2, %dma_start3A_33] : memref<16384x160xf32, #tpu.memory_space<hbm>> -> memref<512x32xf32, #tpu.memory_space<hbm>>
    %dma_start3A_35 = arith.constant 64 : i32
    %dma_start3A_36 = tpu.memref_slice %arg12[%mul3A_2, %dma_start3A_35] : memref<16384x160xf32, #tpu.memory_space<hbm>> -> memref<512x32xf32, #tpu.memory_space<hbm>>
    tpu.enqueue_dma source(%arg20 : memref<512x32xf32, #tpu.memory_space<vmem>>) target(%dma_start3A_36 : memref<512x32xf32, #tpu.memory_space<hbm>>) target_semaphore(%arg24 : memref<!tpu.dma_semaphore, #tpu.memory_space<semaphore_mem>>)
    %dma_wait3A_37 = arith.constant 0 : i32
    %dma_wait3A_38 = arith.constant 0 : i32
    %dma_wait3A_39 = tpu.memref_slice %arg10[%dma_wait3A_37, %dma_wait3A_38] : memref<100000x32xf32, #tpu.memory_space<hbm>> -> memref<100000x32xf32, #tpu.memory_space<hbm>>
    tpu.wait_indirect_dma semaphore(%arg23 : memref<!tpu.dma_semaphore, #tpu.memory_space<semaphore_mem>>) src(%dma_wait3A_39 : memref<100000x32xf32, #tpu.memory_space<hbm>>) dst(%arg21 : memref<512x32xf32, #tpu.memory_space<vmem>>)
    %dma_start3A_40 = arith.constant 96 : i32
    %dma_start3A_41 = tpu.memref_slice %arg12[%mul3A_2, %dma_start3A_40] : memref<16384x160xf32, #tpu.memory_space<hbm>> -> memref<512x32xf32, #tpu.memory_space<hbm>>
    %dma_start3A_42 = arith.constant 96 : i32
    %dma_start3A_43 = tpu.memref_slice %arg12[%mul3A_2, %dma_start3A_42] : memref<16384x160xf32, #tpu.memory_space<hbm>> -> memref<512x32xf32, #tpu.memory_space<hbm>>
    tpu.enqueue_dma source(%arg21 : memref<512x32xf32, #tpu.memory_space<vmem>>) target(%dma_start3A_43 : memref<512x32xf32, #tpu.memory_space<hbm>>) target_semaphore(%arg24 : memref<!tpu.dma_semaphore, #tpu.memory_space<semaphore_mem>>)
    %dma_wait3A_44 = arith.constant 0 : i32
    %dma_wait3A_45 = arith.constant 0 : i32
    %dma_wait3A_46 = tpu.memref_slice %arg11[%dma_wait3A_44, %dma_wait3A_45] : memref<100000x32xf32, #tpu.memory_space<hbm>> -> memref<100000x32xf32, #tpu.memory_space<hbm>>
    tpu.wait_indirect_dma semaphore(%arg23 : memref<!tpu.dma_semaphore, #tpu.memory_space<semaphore_mem>>) src(%dma_wait3A_46 : memref<100000x32xf32, #tpu.memory_space<hbm>>) dst(%arg22 : memref<512x32xf32, #tpu.memory_space<vmem>>)
    %dma_start3A_47 = arith.constant 128 : i32
    %dma_start3A_48 = tpu.memref_slice %arg12[%mul3A_2, %dma_start3A_47] : memref<16384x160xf32, #tpu.memory_space<hbm>> -> memref<512x32xf32, #tpu.memory_space<hbm>>
    %dma_start3A_49 = arith.constant 128 : i32
    %dma_start3A_50 = tpu.memref_slice %arg12[%mul3A_2, %dma_start3A_49] : memref<16384x160xf32, #tpu.memory_space<hbm>> -> memref<512x32xf32, #tpu.memory_space<hbm>>
    tpu.enqueue_dma source(%arg22 : memref<512x32xf32, #tpu.memory_space<vmem>>) target(%dma_start3A_50 : memref<512x32xf32, #tpu.memory_space<hbm>>) target_semaphore(%arg24 : memref<!tpu.dma_semaphore, #tpu.memory_space<semaphore_mem>>)
    %dma_wait3A_51 = arith.constant 0 : i32
    %dma_wait3A_52 = tpu.memref_slice %arg12[%mul3A_2, %dma_wait3A_51] : memref<16384x160xf32, #tpu.memory_space<hbm>> -> memref<512x32xf32, #tpu.memory_space<hbm>>
    %dma_wait3A_53 = arith.constant 0 : i32
    %dma_wait3A_54 = tpu.memref_slice %arg12[%mul3A_2, %dma_wait3A_53] : memref<16384x160xf32, #tpu.memory_space<hbm>> -> memref<512x32xf32, #tpu.memory_space<hbm>>
    tpu.wait_dma2 semaphore(%arg24 : memref<!tpu.dma_semaphore, #tpu.memory_space<semaphore_mem>>) src(%arg18 : memref<512x32xf32, #tpu.memory_space<vmem>>) dst(%dma_wait3A_54 : memref<512x32xf32, #tpu.memory_space<hbm>>)
    %dma_wait3A_55 = arith.constant 32 : i32
    %dma_wait3A_56 = tpu.memref_slice %arg12[%mul3A_2, %dma_wait3A_55] : memref<16384x160xf32, #tpu.memory_space<hbm>> -> memref<512x32xf32, #tpu.memory_space<hbm>>
    %dma_wait3A_57 = arith.constant 32 : i32
    %dma_wait3A_58 = tpu.memref_slice %arg12[%mul3A_2, %dma_wait3A_57] : memref<16384x160xf32, #tpu.memory_space<hbm>> -> memref<512x32xf32, #tpu.memory_space<hbm>>
    tpu.wait_dma2 semaphore(%arg24 : memref<!tpu.dma_semaphore, #tpu.memory_space<semaphore_mem>>) src(%arg19 : memref<512x32xf32, #tpu.memory_space<vmem>>) dst(%dma_wait3A_58 : memref<512x32xf32, #tpu.memory_space<hbm>>)
    %dma_wait3A_59 = arith.constant 64 : i32
    %dma_wait3A_60 = tpu.memref_slice %arg12[%mul3A_2, %dma_wait3A_59] : memref<16384x160xf32, #tpu.memory_space<hbm>> -> memref<512x32xf32, #tpu.memory_space<hbm>>
    %dma_wait3A_61 = arith.constant 64 : i32
    %dma_wait3A_62 = tpu.memref_slice %arg12[%mul3A_2, %dma_wait3A_61] : memref<16384x160xf32, #tpu.memory_space<hbm>> -> memref<512x32xf32, #tpu.memory_space<hbm>>
    tpu.wait_dma2 semaphore(%arg24 : memref<!tpu.dma_semaphore, #tpu.memory_space<semaphore_mem>>) src(%arg20 : memref<512x32xf32, #tpu.memory_space<vmem>>) dst(%dma_wait3A_62 : memref<512x32xf32, #tpu.memory_space<hbm>>)
    %dma_wait3A_63 = arith.constant 96 : i32
    %dma_wait3A_64 = tpu.memref_slice %arg12[%mul3A_2, %dma_wait3A_63] : memref<16384x160xf32, #tpu.memory_space<hbm>> -> memref<512x32xf32, #tpu.memory_space<hbm>>
    %dma_wait3A_65 = arith.constant 96 : i32
    %dma_wait3A_66 = tpu.memref_slice %arg12[%mul3A_2, %dma_wait3A_65] : memref<16384x160xf32, #tpu.memory_space<hbm>> -> memref<512x32xf32, #tpu.memory_space<hbm>>
    tpu.wait_dma2 semaphore(%arg24 : memref<!tpu.dma_semaphore, #tpu.memory_space<semaphore_mem>>) src(%arg21 : memref<512x32xf32, #tpu.memory_space<vmem>>) dst(%dma_wait3A_66 : memref<512x32xf32, #tpu.memory_space<hbm>>)
    %dma_wait3A_67 = arith.constant 128 : i32
    %dma_wait3A_68 = tpu.memref_slice %arg12[%mul3A_2, %dma_wait3A_67] : memref<16384x160xf32, #tpu.memory_space<hbm>> -> memref<512x32xf32, #tpu.memory_space<hbm>>
    %dma_wait3A_69 = arith.constant 128 : i32
    %dma_wait3A_70 = tpu.memref_slice %arg12[%mul3A_2, %dma_wait3A_69] : memref<16384x160xf32, #tpu.memory_space<hbm>> -> memref<512x32xf32, #tpu.memory_space<hbm>>
    tpu.wait_dma2 semaphore(%arg24 : memref<!tpu.dma_semaphore, #tpu.memory_space<semaphore_mem>>) src(%arg22 : memref<512x32xf32, #tpu.memory_space<vmem>>) dst(%dma_wait3A_70 : memref<512x32xf32, #tpu.memory_space<hbm>>)
    return
  }
}

</mosaic_0001>

<sc_bundles>
// kernel: kernel.3.cloned.1.call-start
scs
__scs_entry_jumppad:
0x0: {  	(pc) =	sbr.rel $0x88, $3  }
0x1: {  	(tag) =	ssettag $0x0;
	lr =	simm.s32 $0x1  }
0x2: {  	[smem:$0x3F9B] =	sst lr;
	_ =	strace $0xD0000000  }
0x3: {  	_ = 	snop  }
0x4: {  	_ = 	snop  }
0x5: {  	_ = 	snop  }
0x6: {  	_ = 	snop  }
0x7: {  	_ = 	snop  }
__scs_overlays_trampoline_lowered:
0x8: {  	[smem:$0x3FAA] =	sst s0  }
0x9: {  	[smem:$0x3FAB] =	sst s1  }
0xa: {  	[smem:$0x3FAC] =	sst s2  }
0xb: {  	[smem:$0x3FAD] =	sst s3  }
0xc: {  	[smem:$0x3FAE] =	sst s4  }
0xd: {  	[smem:$0x3FAF] =	sst s5  }
0xe: {  	[smem:$0x3FB0] =	sst s6  }
0xf: {  	[smem:$0x3FB1] =	sst s7  }
0x10: {  	[smem:$0x3FB2] =	sst s8  }
0x11: {  	[smem:$0x3FB3] =	sst s9;
	s0 =	simm.s32 @!p0 $0x0  }
0x12: {  	s1 =	sld [smem:$0x3F99];
	s0 =	simm.s32 @p0 $0x1  }
0x13: {  	[smem:$0x3FB4] =	sst s0;
	s0 =	simm.s32 @!p1 $0x0  }
0x14: {  	s2 =	sld [smem:$0x3F98];
	s0 =	simm.s32 @p1 $0x1  }
0x15: {  	[smem:$0x3FB5] =	sst s0;
	s0 =	simm.s32 @!p2 $0x0  }
0x16: {  	s3 =	sld [smem:$0x3FDB];
	s0 =	simm.s32 @p2 $0x1  }
0x17: {  	s4 =	simm.s32 $0x1BF5;
	[smem:$0x3FB7] =	sst s0  }
0x18: {  	s0 =	sld [smem:$0x3F9A];
	_ =	swait.ge [sflag:s4], $0x0  }
0x19: {  	s7 =	sld [smem:$0x3F9B]  }
0x1a: {  	s8 =	sadd.s32 $0xFFFFE003, lr  }
0x1b: {  	s9 =	sadd.s32 $0xFFFFFEF7, lr;
	s5 =	simm.s32 $0xFFFFFFFF;
	p2 =	slt.u32 s8, $0xFFFFF086  }
0x1c: {  	p1 =	slt.u32 s9, $0xF7A;
	s5 =	simm.s32 @!p2 $0x0  }
0x1d: {  	s5 =	simm.s32 @p1 $0x1;
	p0 =	seq.s32 s7, s2  }
0x1e: {  	s7 =	smul.u32 @!p0 $0xF7A, s2;
	p2 =	seq.s32 @!p0 s5, $0x0  }
0x1f: {  	s9 =	smul.u32 $0xF7A, s1;
	s8 =	simm.s32 @!p0 $0x1BF5;
	p2 =	por !p2, p0  }
0x20: {  	[sflag:s8] =	ssyncset.s32 @!p0 $0xFFFFF086;
	s6 =	sadd.s32 @!p0 s3, s7;
	s7 =	simm.s32 @!p0 $0x108  }
0x21: {  	s3 =	sadd.s32 s3, s9;
	s6 =	sadd.s32 @!p0 $0x88, s6;
	s7 =	simm.s32 @p2 $0x1082  }
0x22: {  	[simem:s7], [sflag:s8] =	dma.local @!p0 [hbm:s6], $0xF7A  }
0x23: {  	s9 =	sor.u32 $0xD0000000, s2;
	s6 =	simm.s32 $0x108;
	_ =	swait.ge @!p0 [sflag:s8], $0x0  }
0x24: {  	s3 =	sadd.s32 $0x88, s3;
	s6 =	simm.s32 @!p1 $0x1082;
	[sflag:s4] =	ssyncset.s32 $0xFFFFF086  }
0x25: {  	[simem:s6], [sflag:s4] =	dma.local [hbm:s3], $0xF7A  }
0x26: {  	[smem:$0x3F9B] =	sst s1;
	(tag) =	ssettag s2;
	_ =	strace s9  }
0x27: {  	s1 =	sld [smem:$0x3FAB]  }
0x28: {  	s2 =	sld [smem:$0x3FAC]  }
0x29: {  	s4 =	sld [smem:$0x3FAE]  }
0x2a: {  	p0 =	seq.s32 s5, $0x0;
	s5 =	sld [smem:$0x3FAF]  }
0x2b: {  	s6 =	sld [smem:$0x3FB0]  }
0x2c: {  	s7 =	sld [smem:$0x3FB1]  }
0x2d: {  	s3 =	simm.s32 $0x108;
	s8 =	sld [smem:$0x3FB2]  }
0x2e: {  	s3 =	simm.s32 @!p0 $0x1082;
	s9 =	sld [smem:$0x3FB3]  }
0x2f: {  	lr =	sadd.s32 s0, s3;
	s0 =	sld [smem:$0x3FAA]  }
0x30: {  	s3 =	sld [smem:$0x3FAD]  }
0x31: {  	[smem:$0x3FB6] =	sst s10  }
0x32: {  	s10 =	sld [smem:$0x3FB4];
	_ =	sdelay $0x3  }
0x33: {  	p0 =	seq.s32 s10, $0x1;
	s10 =	sld [smem:$0x3FB6];
	_ =	sdelay $0x3  }
0x34: {  	[smem:$0x3FB6] =	sst s10  }
0x35: {  	s10 =	sld [smem:$0x3FB5];
	_ =	sdelay $0x3  }
0x36: {  	p1 =	seq.s32 s10, $0x1;
	s10 =	sld [smem:$0x3FB6];
	_ =	sdelay $0x3  }
0x37: {  	[smem:$0x3FB6] =	sst s10  }
0x38: {  	s10 =	sld [smem:$0x3FB7]  }
0x39: {  	_ = 	snop;
	(pc) =	sbr.ind lr, $3  }
0x3a: {  	_ = 	snop  }
0x3b: {  	_ = 	snop  }
0x3c: {  	p2 =	seq.s32 s10, $0x1;
	s10 =	sld [smem:$0x3FB6]  }
0x3d: {  	_ =	shalt  }
0x3e: {  	_ =	shalt  }
0x3f: {  	_ =	shalt  }
0x40: {  	_ =	shalt  }
0x41: {  	_ =	shalt  }
0x42: {  	_ =	shalt  }
0x43: {  	_ =	shalt  }
0x44: {  	_ =	shalt  }
0x45: {  	_ =	shalt  }
0x46: {  	_ =	shalt  }
0x47: {  	_ =	shalt  }
0x48: {  	_ =	shalt  }
0x49: {  	_ =	shalt  }
0x4a: {  	_ =	shalt  }
0x4b: {  	_ =	shalt  }
0x4c: {  	_ =	shalt  }
0x4d: {  	_ =	shalt  }
0x4e: {  	_ =	shalt  }
0x4f: {  	_ =	shalt  }
0x50: {  	_ =	shalt  }
0x51: {  	_ =	shalt  }
0x52: {  	_ =	shalt  }
0x53: {  	_ =	shalt  }
0x54: {  	_ =	shalt  }
0x55: {  	_ =	shalt  }
0x56: {  	_ =	shalt  }
0x57: {  	_ =	shalt  }
0x58: {  	_ =	shalt  }
0x59: {  	_ =	shalt  }
0x5a: {  	_ =	shalt  }
0x5b: {  	_ =	shalt  }
0x5c: {  	_ =	shalt  }
0x5d: {  	_ =	shalt  }
0x5e: {  	_ =	shalt  }
0x5f: {  	_ =	shalt  }
0x60: {  	_ =	shalt  }
0x61: {  	_ =	shalt  }
0x62: {  	_ =	shalt  }
0x63: {  	_ =	shalt  }
0x64: {  	_ =	shalt  }
0x65: {  	_ =	shalt  }
0x66: {  	_ =	shalt  }
0x67: {  	_ =	shalt  }
0x68: {  	_ =	shalt  }
0x69: {  	_ =	shalt  }
0x6a: {  	_ =	shalt  }
0x6b: {  	_ =	shalt  }
0x6c: {  	_ =	shalt  }
0x6d: {  	_ =	shalt  }
0x6e: {  	_ =	shalt  }
0x6f: {  	_ =	shalt  }
0x70: {  	_ =	shalt  }
0x71: {  	_ =	shalt  }
0x72: {  	_ =	shalt  }
0x73: {  	_ =	shalt  }
0x74: {  	_ =	shalt  }
0x75: {  	_ =	shalt  }
0x76: {  	_ =	shalt  }
0x77: {  	_ =	shalt  }
0x78: {  	_ =	shalt  }
0x79: {  	_ =	shalt  }
0x7a: {  	_ =	shalt  }
0x7b: {  	_ =	shalt  }
0x7c: {  	_ =	shalt  }
0x7d: {  	_ =	shalt  }
0x7e: {  	_ =	shalt  }
0x7f: {  	_ =	shalt  }
0x80: {  	_ =	shalt  }
0x81: {  	_ =	shalt  }
0x82: {  	_ =	shalt  }
0x83: {  	_ =	shalt  }
0x84: {  	_ =	shalt  }
0x85: {  	_ =	shalt  }
0x86: {  	_ =	shalt  }
0x87: {  	_ =	shalt  }
.Lfunc_end0:
.L_simem_size_0:
called_computation_lowered:
.L_overlay_start_0:
0x88: {  	s2 =	sld [smem:$0x3FD9]  }
0x89: {  	s3 =	sld [smem:$0x3FFE];
	_ =	sdelay $0x1  }
0x8a: {  	s1 =	srdreg.scid  }
0x8b: {  	s0 =	sand.u32 $0x1, s1  }
0x8c: {  	s17 =	sshll.u32 s0, $0xA;
	s2 =	sadd.s32 s3, s2  }
0x8d: {  	s2 =	sadd.s32 s2, s17  }
0x8e: {  	[smem:$0x3FC2] =	sst s2  }
0x8f: {  	_ = 	snop  }
0x90: {  	s2 =	sld [smem:$0x3FD0];
	(tm) =	ssettm $0x1  }
0x91: {  	s18 =	sld [smem:$0x3FFB];
	_ =	sdelay $0x3  }
0x92: {  	_ =	strace s18  }
0x93: {  	s3 =	sld [smem:$0x3FFC];
	_ =	sdelay $0x3  }
0x94: {  	_ =	strace s3  }
0x95: {  	s3 =	sld [smem:$0x3FFD];
	_ =	sdelay $0x3  }
0x96: {  	_ =	strace s3  }
0x97: {  	_ =	strace $0x8FFFFFFF  }
0x98: {  	s19 =	sld [smem:$0x3FDB];
	_ =	sdelay $0x1  }
0x99: {  	s4 =	simm.s32 $_scs_section_size  }
0x9a: {  	s5 =	simm.s32 $_size__tile_overlayer_lowered;
	s6 =	simm.s32 $_tile_overlayer_lowered  }
0x9b: {  	s22 =	simm.s32 $0x1BFF;
	s21 =	sshll.u32 s6, $0x1;
	s3 =	sadd.s32 s4, s19  }
0x9c: {  	s7 =	simm.s32 $0x0;
	s20 =	sshll.u32 s5, $0x1;
	s5 =	sadd.s32 s21, s3  }
0x9d: {  	[timem:s7], [sflag:s22] =	dma.local [hbm:s5], s20  }
0x9e: {  	_ =	swait.ge [sflag:s22], s20  }
0x9f: {  	s4 =	ssub.s32 $0x0, s20;
	[sflag:s22] =	ssyncset.done $0x0  }
0xa0: {  	[sflag:s22] =	ssyncadd.s32 s4;
	_ =	sdelay $0x1  }
0xa1: {  	s23 =	simm.s32 $0x1B8B  }
0xa2: {  	_ =	swait.ge [sflag:s23], $0x1  }
0xa3: {  	[sflag:s23] =	ssyncset.done $0x0  }
0xa4: {  	s25 =	simm.s32 $0x1B8E;
	s24 =	sld [smem:$0x3FFE];
	[sflag:s23] =	ssyncadd.s32 $0xFFFFFFFF  }
0xa5: {  	s26 =	simm.s32 $execute0_lowered;
	[smem:$0x3FD2] =	sst s25  }
0xa6: {  	s5 =	sshll.u32 s26, $0x1;
	_ =	strace $0x80000046;
	[dreg:$0x1] =	wrdreg $0xFFFFFFFF  }
0xa7: {  	s28 =	simm.s32 $_size_execute0_lowered;
	s3 =	sadd.s32 s3, s5;
	[dreg:$0x0] =	wrdreg $0x0  }
0xa8: {  	s5 =	sshll.u32 s28, $0x1;
	[dreg:$0x2] =	wrdreg s3  }
0xa9: {  	[dreg:$0x3] =	wrdreg s5  }
0xaa: {  	[dreg:$0x4] =	wrdreg $0xC0  }
0xab: {  	_ =	task [dreg:s7], $0x5FFFF  }
0xac: {  	[dreg:$0x1] =	wrdreg $0xFFFFFFFF  }
0xad: {  	[dreg:$0x0] =	wrdreg $0x60  }
0xae: {  	[dreg:$0x2] =	wrdreg s24  }
0xaf: {  	[dreg:$0x3] =	wrdreg s2  }
0xb0: {  	[dreg:$0x4] =	wrdreg $0x9  }
0xb1: {  	_ =	task.clear_ibuf [dreg:s7], $0x5FFFF;
	_ =	strace $0x90000046  }
0xb2: {  	s29 =	simm.s32 $0x9;
	_ =	strace $0x80000048  }
0xb3: {  	_ =	swait.ge [sflag:s29], $0x1  }
0xb4: {  	[sflag:s29] =	ssyncadd.s32 $0xFFFFFFFF  }
0xb5: {  	_ =	strace $0x90000048  }
0xb6: {  	_ =	sfence  }
0xb7: {  	s30 =	sld [smem:$0x0];
	_ =	sdelay $0x2  }
0xb8: {  	s31 =	sshll.u32 s1, $0xD;
	s1 =	sshrl.u32 s1, $0x2  }
0xb9: {  	s3 =	sand.u32 $0x4000, s31;
	s1 =	sadd.s32 s1, s30  }
0xba: {  	s0 =	sor.u32 s3, s0;
	s1 =	sshll.u32 s1, $0x11  }
0xbb: {  	s0 =	sor.u32 s1, s0  }
0xbc: {  	s0 =	sadd.s32 $0x8F2B, s0  }
0xbd: {  	[sflag:s0] =	ssyncadd.remote.s32 $0x1  }
0xbe: {  	_ =	sfence.sel $0xFFFF  }
0xbf: {  	[dreg:$0x0] =	wrdreg $0xFFFFFFFF;
	(pc) =	sbr.abs _section_cstart, $3  }
0xc0: {  	[dreg:$0x1] =	wrdreg $0xFFFFFFFF  }
0xc1: {  	_ =	task.clear_ibuf [dreg:s7], $0x2FFFF;
	_ =	strace $0x9FFFFFFF  }
0xc2: {  	(tm) =	ssettm $0x7FFFFFFF  }
0xc3: {  	_ =	shalt  }
tec
execute0_lowered:
.L_overlay_start_1:
0x0: {  	(tag) =	ssettag $0x1  }
0x1: {  	s1 =	srdreg.scid  }
0x2: {  	s0 =	stileid.u32;
	s1 =	sand.u32 $0x1, s1  }
0x3: {  	s19 =	rddreg [dreg:$0x0];
	s3 =	sshll.u32 s0, $0xA;
	s4 =	sshll.u32 s1, $0x9  }
0x4: {  	s23 =	rddreg [dreg:$0x1];
	s2 =	simm.s32 $0x0;
	s21 =	sor.u32 s4, s3  }
0x5: {  	[smem:$0x7FF] =	sst s2;
	s3 =	sshrl.u32 s21, $0x3  }
0x6: {  	s26 =	sadd.s32 $0x18D800, s19;
	_ =	strace $0x80000047;
	s11 =	sadd.s32 s3, s19  }
0x7: {  	[dreg:$0x3] =	wrdreg s26;
	s4 =	simm.s32 $0x3;
	s3 =	sadd.s32 $0x6600, s11  }
0x8: {  	[tilespmem:s2], [sflag:$0x3] =	stream.linear.gather [hbm4b:s3+s2], $0x200, $0x38;
	[tilespmem:$0x14A00] =	vst v63  }
0x9: {  	_ =	swait.ge [sflag:s4], $0x200  }
0xa: {  	[sflag:s4] =	ssyncset.done $0x0  }
0xb: {  	s6 =	simm.s32 $0x200;
	s5 =	sadd.s32 $0x5E00, s11;
	[sflag:s4] =	ssyncadd.s32 $0xFFFFFE00  }
0xc: {  	[tilespmem:s6], [sflag:$0x3] =	stream.linear.gather [hbm4b:s5+s2], $0x200, $0x38;
	[tilespmem:$0x14A00] =	vst v63  }
0xd: {  	_ =	swait.ge [sflag:s4], $0x200  }
0xe: {  	[sflag:s4] =	ssyncset.done $0x0  }
0xf: {  	s8 =	simm.s32 $0x400;
	s7 =	sadd.s32 $0x5600, s11;
	[sflag:s4] =	ssyncadd.s32 $0xFFFFFE00  }
0x10: {  	[tilespmem:s8], [sflag:$0x3] =	stream.linear.gather [hbm4b:s7+s2], $0x200, $0x38;
	[tilespmem:$0x14A00] =	vst v63  }
0x11: {  	_ =	swait.ge [sflag:s4], $0x200  }
0x12: {  	[sflag:s4] =	ssyncset.done $0x0  }
0x13: {  	s10 =	simm.s32 $0x600;
	s9 =	sadd.s32 $0x4E00, s11;
	[sflag:s4] =	ssyncadd.s32 $0xFFFFFE00  }
0x14: {  	[tilespmem:s10], [sflag:$0x3] =	stream.linear.gather [hbm4b:s9+s2], $0x200, $0x38;
	[tilespmem:$0x14A00] =	vst v63  }
0x15: {  	_ =	swait.ge [sflag:s4], $0x200  }
0x16: {  	[sflag:s4] =	ssyncset.done $0x0  }
0x17: {  	s12 =	simm.s32 $0x800;
	s11 =	sadd.s32 $0x4600, s11;
	[sflag:s4] =	ssyncadd.s32 $0xFFFFFE00  }
0x18: {  	[tilespmem:s12], [sflag:$0x3] =	stream.linear.gather [hbm4b:s11+s2], $0x200, $0x38;
	[tilespmem:$0x14A00] =	vst v63  }
0x19: {  	_ =	swait.ge [sflag:s4], $0x200  }
0x1a: {  	[sflag:s4] =	ssyncset.done $0x0  }
0x1b: {  	s13 =	simm.s32 $0xA00;
	s14 =	rddreg [dreg:$0x3];
	[sflag:s4] =	ssyncadd.s32 $0xFFFFFE00  }
0x1c: {  	[tilespmem:s13], [sflag:$0x1] =	stream.indirect.gather [hbm4b:s14+s6], $0x20, s2, s6, $0xb8;
	[tilespmem:$0x14A00] =	vst v63  }
0x1d: {  	s15 =	simm.s32 $0x4A00;
	s14 =	sadd.s32 $0x1EF400, s19  }
0x1e: {  	[tilespmem:s15], [sflag:$0x1] =	stream.indirect.gather [hbm4b:s14+s6], $0x20, s6, s6, $0xb8;
	[tilespmem:$0x14A00] =	vst v63  }
0x1f: {  	s18 =	simm.s32 $0x8A00;
	s16 =	sadd.s32 $0x251000, s19  }
0x20: {  	[tilespmem:s18], [sflag:$0x1] =	stream.indirect.gather [hbm4b:s16+s6], $0x20, s8, s6, $0xb8;
	[tilespmem:$0x14A00] =	vst v63  }
0x21: {  	s20 =	simm.s32 $0xCA00;
	s22 =	simm.s32 $0x1;
	s17 =	sadd.s32 $0x2B2C00, s19  }
0x22: {  	[tilespmem:s20], [sflag:$0x1] =	stream.indirect.gather [hbm4b:s17+s6], $0x20, s10, s6, $0xb8;
	[tilespmem:$0x14A00] =	vst v63  }
0x23: {  	s24 =	smul.u32 $0x14, s21;
	s21 =	simm.s32 $0x10A00;
	s19 =	sadd.s32 $0x314800, s19  }
0x24: {  	[tilespmem:s21], [sflag:$0x1] =	stream.indirect.gather [hbm4b:s19+s6], $0x20, s12, s6, $0xb8;
	[tilespmem:$0x14A00] =	vst v63  }
0x25: {  	_ =	swait.ge [sflag:s22], $0x4000  }
0x26: {  	s25 =	simm.s32 $0xA0;
	[sflag:s22] =	ssyncset.done $0x0  }
0x27: {  	s23 =	sadd.s32 s23, s24;
	s24 =	simm.s32 $0x20;
	[sflag:s22] =	ssyncadd.s32 $0xFFFFC000  }
0x28: {  	[hbm4b:s23+s24] =	stream.strided.scatter [tilespmem:s13], [sflag:$0x2], $0x4000, s25, s24, $0x38;
	[tilespmem:$0x14A00] =	vst v63  }
0x29: {  	_ =	swait.ge [sflag:s22], $0x4000  }
0x2a: {  	[sflag:s22] =	ssyncset.done $0x0  }
0x2b: {  	s26 =	sadd.s32 $0x4, s23;
	[sflag:s22] =	ssyncadd.s32 $0xFFFFC000  }
0x2c: {  	[hbm4b:s26+s24] =	stream.strided.scatter [tilespmem:s15], [sflag:$0x2], $0x4000, s25, s24, $0x38;
	[tilespmem:$0x14A00] =	vst v63  }
0x2d: {  	_ =	swait.ge [sflag:s22], $0x4000  }
0x2e: {  	[sflag:s22] =	ssyncset.done $0x0  }
0x2f: {  	s28 =	sadd.s32 $0x8, s23;
	[sflag:s22] =	ssyncadd.s32 $0xFFFFC000  }
0x30: {  	[hbm4b:s28+s24] =	stream.strided.scatter [tilespmem:s18], [sflag:$0x2], $0x4000, s25, s24, $0x38;
	[tilespmem:$0x14A00] =	vst v63  }
0x31: {  	_ =	swait.ge [sflag:s22], $0x4000  }
0x32: {  	[sflag:s22] =	ssyncset.done $0x0  }
0x33: {  	s29 =	sadd.s32 $0xC, s23;
	[sflag:s22] =	ssyncadd.s32 $0xFFFFC000  }
0x34: {  	[hbm4b:s29+s24] =	stream.strided.scatter [tilespmem:s20], [sflag:$0x2], $0x4000, s25, s24, $0x38;
	[tilespmem:$0x14A00] =	vst v63  }
0x35: {  	_ =	swait.ge [sflag:s22], $0x4000  }
0x36: {  	[sflag:s22] =	ssyncset.done $0x0  }
0x37: {  	s31 =	simm.s32 $0x2;
	s30 =	sadd.s32 $0x10, s23;
	[sflag:s22] =	ssyncadd.s32 $0xFFFFC000  }
0x38: {  	[hbm4b:s30+s24] =	stream.strided.scatter [tilespmem:s21], [sflag:$0x2], $0x4000, s25, s24, $0x38;
	[tilespmem:$0x14A00] =	vst v63  }
0x39: {  	_ =	swait.ge [sflag:s31], $0x4000  }
0x3a: {  	[sflag:s31] =	ssyncset.done $0x0  }
0x3b: {  	[sflag:s31] =	ssyncadd.s32 $0xFFFFC000  }
0x3c: {  	_ =	swait.ge [sflag:s31], $0x4000  }
0x3d: {  	s1 =	ssub.s32 $0x2, s1;
	[sflag:s31] =	ssyncset.done $0x0  }
0x3e: {  	s0 =	sshrl.u32 s1, $0x1;
	[sflag:s31] =	ssyncadd.s32 $0xFFFFC000  }
0x3f: {  	s0 =	ssub.s32 s1, s0;
	_ =	swait.ge [sflag:s31], $0x4000  }
0x40: {  	s0 =	smax.u32 s0, $0x1;
	[sflag:s31] =	ssyncset.done $0x0  }
0x41: {  	p0 =	sne.s32 s0, $0x1;
	[sflag:s31] =	ssyncadd.s32 $0xFFFFC000  }
.Ltmp0:
0x42: {  	_ =	swait.ge [sflag:s31], $0x4000;
	(pc) =	sbr.rel @!p0 .LBB2_2-.Ltmp0, $4  }
0x43: {  	[sflag:s31] =	ssyncset.done $0x0  }
0x44: {  	[sflag:s31] =	ssyncadd.s32 $0xFFFFC000  }
0x45: {  	_ =	swait.ge [sflag:s31], $0x4000  }
0x46: {  	s1 =	sadd.s32 $0xFFFFFFFF, s0;
	[sflag:s31] =	ssyncset.done $0x0  }
.LBB2_1:
0x47: {  	[sflag:s31] =	ssyncadd.s32 $0xFFFFC000  }
0x48: {  	[tilespmem:s2], [sflag:$0x3] =	stream.linear.gather [hbm4b:s3+s2], $0x200, $0x38;
	[tilespmem:$0x14A00] =	vst v63  }
0x49: {  	_ =	swait.ge [sflag:s4], $0x200  }
0x4a: {  	[sflag:s4] =	ssyncset.done $0x0  }
0x4b: {  	[sflag:s4] =	ssyncadd.s32 $0xFFFFFE00  }
0x4c: {  	[tilespmem:s6], [sflag:$0x3] =	stream.linear.gather [hbm4b:s5+s2], $0x200, $0x38;
	[tilespmem:$0x14A00] =	vst v63  }
0x4d: {  	_ =	swait.ge [sflag:s4], $0x200  }
0x4e: {  	[sflag:s4] =	ssyncset.done $0x0  }
0x4f: {  	[sflag:s4] =	ssyncadd.s32 $0xFFFFFE00  }
0x50: {  	[tilespmem:s8], [sflag:$0x3] =	stream.linear.gather [hbm4b:s7+s2], $0x200, $0x38;
	[tilespmem:$0x14A00] =	vst v63  }
0x51: {  	_ =	swait.ge [sflag:s4], $0x200  }
0x52: {  	[sflag:s4] =	ssyncset.done $0x0  }
0x53: {  	[sflag:s4] =	ssyncadd.s32 $0xFFFFFE00  }
0x54: {  	[tilespmem:s10], [sflag:$0x3] =	stream.linear.gather [hbm4b:s9+s2], $0x200, $0x38;
	[tilespmem:$0x14A00] =	vst v63  }
0x55: {  	_ =	swait.ge [sflag:s4], $0x200  }
0x56: {  	[sflag:s4] =	ssyncset.done $0x0  }
0x57: {  	[sflag:s4] =	ssyncadd.s32 $0xFFFFFE00  }
0x58: {  	[tilespmem:s12], [sflag:$0x3] =	stream.linear.gather [hbm4b:s11+s2], $0x200, $0x38;
	[tilespmem:$0x14A00] =	vst v63  }
0x59: {  	_ =	swait.ge [sflag:s4], $0x200  }
0x5a: {  	[sflag:s4] =	ssyncset.done $0x0  }
0x5b: {  	s0 =	rddreg [dreg:$0x3];
	[sflag:s4] =	ssyncadd.s32 $0xFFFFFE00  }
0x5c: {  	[tilespmem:s13], [sflag:$0x1] =	stream.indirect.gather [hbm4b:s0+s6], $0x20, s2, s6, $0xb8;
	[tilespmem:$0x14A00] =	vst v63  }
0x5d: {  	_ = 	snop  }
0x5e: {  	[tilespmem:s15], [sflag:$0x1] =	stream.indirect.gather [hbm4b:s14+s6], $0x20, s6, s6, $0xb8;
	[tilespmem:$0x14A00] =	vst v63  }
0x5f: {  	_ = 	snop  }
0x60: {  	[tilespmem:s18], [sflag:$0x1] =	stream.indirect.gather [hbm4b:s16+s6], $0x20, s8, s6, $0xb8;
	[tilespmem:$0x14A00] =	vst v63  }
0x61: {  	_ = 	snop  }
0x62: {  	[tilespmem:s20], [sflag:$0x1] =	stream.indirect.gather [hbm4b:s17+s6], $0x20, s10, s6, $0xb8;
	[tilespmem:$0x14A00] =	vst v63  }
0x63: {  	_ = 	snop  }
0x64: {  	[tilespmem:s21], [sflag:$0x1] =	stream.indirect.gather [hbm4b:s19+s6], $0x20, s12, s6, $0xb8;
	[tilespmem:$0x14A00] =	vst v63  }
0x65: {  	_ =	swait.ge [sflag:s22], $0x4000  }
0x66: {  	[sflag:s22] =	ssyncset.done $0x0  }
0x67: {  	[sflag:s22] =	ssyncadd.s32 $0xFFFFC000  }
0x68: {  	[hbm4b:s23+s24] =	stream.strided.scatter [tilespmem:s13], [sflag:$0x2], $0x4000, s25, s24, $0x38;
	[tilespmem:$0x14A00] =	vst v63  }
0x69: {  	_ =	swait.ge [sflag:s22], $0x4000  }
0x6a: {  	[sflag:s22] =	ssyncset.done $0x0  }
0x6b: {  	[sflag:s22] =	ssyncadd.s32 $0xFFFFC000  }
0x6c: {  	[hbm4b:s26+s24] =	stream.strided.scatter [tilespmem:s15], [sflag:$0x2], $0x4000, s25, s24, $0x38;
	[tilespmem:$0x14A00] =	vst v63  }
0x6d: {  	_ =	swait.ge [sflag:s22], $0x4000  }
0x6e: {  	[sflag:s22] =	ssyncset.done $0x0  }
0x6f: {  	[sflag:s22] =	ssyncadd.s32 $0xFFFFC000  }
0x70: {  	[hbm4b:s28+s24] =	stream.strided.scatter [tilespmem:s18], [sflag:$0x2], $0x4000, s25, s24, $0x38;
	[tilespmem:$0x14A00] =	vst v63  }
0x71: {  	_ =	swait.ge [sflag:s22], $0x4000  }
0x72: {  	[sflag:s22] =	ssyncset.done $0x0  }
0x73: {  	[sflag:s22] =	ssyncadd.s32 $0xFFFFC000  }
0x74: {  	[hbm4b:s29+s24] =	stream.strided.scatter [tilespmem:s20], [sflag:$0x2], $0x4000, s25, s24, $0x38;
	[tilespmem:$0x14A00] =	vst v63  }
0x75: {  	_ =	swait.ge [sflag:s22], $0x4000  }
0x76: {  	[sflag:s22] =	ssyncset.done $0x0  }
0x77: {  	[sflag:s22] =	ssyncadd.s32 $0xFFFFC000  }
0x78: {  	[hbm4b:s30+s24] =	stream.strided.scatter [tilespmem:s21], [sflag:$0x2], $0x4000, s25, s24, $0x38;
	[tilespmem:$0x14A00] =	vst v63  }
0x79: {  	_ =	swait.ge [sflag:s31], $0x4000  }
0x7a: {  	[sflag:s31] =	ssyncset.done $0x0  }
0x7b: {  	[sflag:s31] =	ssyncadd.s32 $0xFFFFC000  }
0x7c: {  	_ =	swait.ge [sflag:s31], $0x4000  }
0x7d: {  	[sflag:s31] =	ssyncset.done $0x0  }
0x7e: {  	[sflag:s31] =	ssyncadd.s32 $0xFFFFC000  }
0x7f: {  	_ =	swait.ge [sflag:s31], $0x4000  }
0x80: {  	[sflag:s31] =	ssyncset.done $0x0  }
0x81: {  	p0 =	sne.s32 s1, $0x1;
	[sflag:s31] =	ssyncadd.s32 $0xFFFFC000  }
.Ltmp1:
0x82: {  	_ =	swait.ge [sflag:s31], $0x4000;
	(pc) =	sbr.rel @p0 .LBB2_1-.Ltmp1, $4  }
0x83: {  	[sflag:s31] =	ssyncset.done $0x0  }
0x84: {  	[sflag:s31] =	ssyncadd.s32 $0xFFFFC000  }
0x85: {  	_ =	swait.ge [sflag:s31], $0x4000  }
0x86: {  	s1 =	sadd.s32 $0xFFFFFFFF, s1;
	[sflag:s31] =	ssyncset.done $0x0  }
.LBB2_2:
0x87: {  	[sflag:s31] =	ssyncadd.s32 $0xFFFFC000  }
0x88: {  	_ =	sfence.sel $0x180000  }
0x89: {  	[bflag:$0x0] =	sbarrier.arrive $0xFFFF  }
0x8a: {  	_ =	strace $0x90000047  }
0x8b: {  	s0 =	stileid.u32;
	[bflag:$0x2] =	sbarrier.arrive $0xFFFF  }
0x8c: {  	p0 =	sne.s32 s0, $0x0;
	s0 =	rddreg [dreg:$0x2]  }
0x8d: {  	s0 =	sadd.s32 @!p0 $0x100000, s0  }
0x8e: {  	[sflag:s0] =	ssyncadd.tile.s32 @!p0 $0x1;
	_ =	shalt  }
.Lfunc_end2:
_tile_overlayer_lowered:
.L_overlay_start_2:
0x8f: {  	(tag) =	ssettag $0x2  }
0x90: {  	s0 =	rddreg [dreg:$0x0];
	s2 =	stileid.u32  }
0x91: {  	s1 =	rddreg [dreg:$0x1];
	p0 =	sne.s32 s2, $0x0  }
0x92: {  	s3 =	rddreg [dreg:$0x2];
	[bflag:$0x3] =	sbarrier.arrive $0xFFFF;
	s2 =	simm.s32 @!p0 $0x1C03  }
0x93: {  	[timem:s3], [sflag:s2] =	dma.local @!p0 [hbm:s0], s1  }
0x94: {  	s0 =	simm.s32 @!p0 $0x3  }
0x95: {  	_ =	swait.ge @!p0 [sflag:s0], s1  }
0x96: {  	s1 =	ssub.s32 @!p0 $0x0, s1;
	[sflag:s0] =	ssyncset.done @!p0 $0x0  }
0x97: {  	[sflag:s0] =	ssyncadd.s32 @!p0 s1  }
0x98: {  	[bflag:$0x3] =	sbarrier.arrive $0xFFFF  }
0x99: {  	_ =	shalt  }

</sc_bundles>
